<compile_context>
chip_gen: v7x
topology: tpu7x:2x2x1
jax: 0.10.2.dev20260603
libtpu: 0.0.44.dev20260713+nightly
codegen_flags: <defaults>
</compile_context>

<pallas_src>
import functools

import jax
import jax.numpy as jnp
from jax import lax
from jax.experimental import pallas as pl
from jax.experimental.pallas import tpu as pltpu
from jax.experimental.pallas import tpu_sc as plsc

D_MODEL = 768
D_HID = 192
D_DETAIL = 384
K = 32
B = 4
S = 8192
N = B * S
BS = 4096

NEG = -3.4028235e38

_NC = 2


def _gelu(x):
    return 0.5 * x * (1.0 + lax.erf(x * 0.7071067811865476))


def _score_topk_body(hs_ref, mask_ref, ws1_ref, bs1_ref, ws2t_ref, bs2_ref,
                     gidx_ref, dmask_ref, scores_s):
    i = pl.program_id(0)
    j = pl.program_id(1)
    x = hs_ref[...]
    h = jnp.dot(x, ws1_ref[...], preferred_element_type=jnp.float32)
    h = _gelu(h + bs1_ref[...])
    st = lax.dot_general(ws2t_ref[...], h, (((1,), (1,)), ((), ())),
                         preferred_element_type=jnp.float32)
    st = st + bs2_ref[...]
    st = jnp.where(mask_ref[0] == 0, NEG, st)
    scores_s[pl.ds(i, 1), pl.ds(j * BS, BS)] = st

    @pl.when((i == B - 1) & (j == (S // BS) - 1))
    def _():
        col = lax.broadcasted_iota(jnp.int32, (B, S), 1)
        ki = lax.broadcasted_iota(jnp.int32, (B, K), 1)

        def step(t, acc):
            idx_acc, mask_acc = acc
            cur = scores_s[...]
            m = jnp.max(cur, axis=1, keepdims=True)
            idx = jnp.min(jnp.where(cur == m, col, S), axis=1, keepdims=True)
            scores_s[...] = jnp.where(col == idx, -jnp.inf, cur)
            idx_acc = jnp.where(ki == t, idx, idx_acc)
            valid = jnp.where(m > jnp.float32(-3.0e38), 1.0, 0.0)
            mask_acc = jnp.where(ki == t, valid, mask_acc)
            return idx_acc, mask_acc

        idx_acc = jnp.zeros((B, K), jnp.int32)
        mask_acc = jnp.zeros((B, K), jnp.float32)
        idx_acc, mask_acc = lax.fori_loop(0, K, step, (idx_acc, mask_acc))
        row = lax.broadcasted_iota(jnp.int32, (B, K), 0)
        gidx_ref[...] = idx_acc + row * S
        dmask_ref[...] = mask_acc


def _score_topk(hs2, mask16, Ws1, bs1, Ws2t, bs2):
    nj = S // BS
    return pl.pallas_call(
        _score_topk_body,
        grid=(B, nj),
        in_specs=[
            pl.BlockSpec((BS, D_MODEL), lambda i, j: (i * nj + j, 0)),
            pl.BlockSpec((1, 1, BS), lambda i, j: (i * nj + j, 0, 0)),
            pl.BlockSpec((D_MODEL, D_HID), lambda i, j: (0, 0)),
            pl.BlockSpec((1, D_HID), lambda i, j: (0, 0)),
            pl.BlockSpec((1, D_HID), lambda i, j: (0, 0)),
            pl.BlockSpec((1, 1), lambda i, j: (0, 0)),
        ],
        out_specs=(
            pl.BlockSpec((B, K), lambda i, j: (0, 0)),
            pl.BlockSpec((B, K), lambda i, j: (0, 0)),
        ),
        out_shape=(
            jax.ShapeDtypeStruct((B, K), jnp.int32),
            jax.ShapeDtypeStruct((B, K), jnp.float32),
        ),
        scratch_shapes=[pltpu.VMEM((B, S), jnp.float32)],
    )(hs2, mask16, Ws1, bs1, Ws2t, bs2)


_ROWS_PER_W = 8
_NW_ACTIVE = (B * K) // _ROWS_PER_W


def _sc_gather_body(table_hbm, idx_hbm, out_hbm, idx_v, rows_v, sem):
    wid = lax.axis_index("s") * _NC + lax.axis_index("c")

    @pl.when(wid < _NW_ACTIVE)
    def _():
        base = wid * _ROWS_PER_W
        pltpu.sync_copy(idx_hbm.at[pl.ds(base, _ROWS_PER_W)], idx_v)
        pltpu.async_copy(table_hbm.at[idx_v], rows_v, sem).wait()
        pltpu.sync_copy(rows_v, out_hbm.at[pl.ds(base, _ROWS_PER_W)])


@functools.lru_cache(maxsize=1)
def _sc_gather_kernel():
    return functools.partial(
        pl.kernel,
        mesh=plsc.VectorSubcoreMesh(core_axis_name="c", subcore_axis_name="s"),
        out_type=jax.ShapeDtypeStruct((B * K, D_MODEL), jnp.float32),
        scratch_types=[
            pltpu.VMEM((_ROWS_PER_W,), jnp.int32),
            pltpu.VMEM((_ROWS_PER_W, D_MODEL), jnp.float32),
            pltpu.SemaphoreType.DMA,
        ],
    )(_sc_gather_body)


def _mlp_body(sel_ref, wp1_ref, bp1_ref, wp2_ref, bp2_ref, g_ref, b_ref, out_ref):
    x = sel_ref[...]
    h = _gelu(jnp.dot(x, wp1_ref[...], preferred_element_type=jnp.float32)
              + bp1_ref[...])
    d = jnp.dot(h, wp2_ref[...], preferred_element_type=jnp.float32) + bp2_ref[...]
    mu = jnp.mean(d, axis=1, keepdims=True)
    var = jnp.mean((d - mu) * (d - mu), axis=1, keepdims=True)
    out_ref[...] = (d - mu) / jnp.sqrt(var + 1e-5) * g_ref[...] + b_ref[...]


def _mlp(sel, Wp1, bp1, Wp2, bp2, gamma, beta):
    return pl.pallas_call(
        _mlp_body,
        out_shape=jax.ShapeDtypeStruct((B * K, D_DETAIL), jnp.float32),
    )(sel, Wp1, bp1, Wp2, bp2, gamma, beta)


def kernel(hidden_states, attention_mask, Ws1, bs1, Ws2, bs2, Wp1, bp1, Wp2, bp2,
           gamma, beta):
    hs2 = hidden_states.reshape(N, D_MODEL)
    mask16 = attention_mask.reshape(N // BS, 1, BS)
    gidx, dmask = _score_topk(hs2, mask16, Ws1, bs1.reshape(1, D_HID),
                              Ws2.reshape(1, D_HID), bs2.reshape(1, 1))
    sel = _sc_gather_kernel()(hs2, gidx.reshape(B * K))
    d = _mlp(sel, Wp1, bp1.reshape(1, D_DETAIL), Wp2, bp2.reshape(1, D_DETAIL),
             gamma.reshape(1, D_DETAIL), beta.reshape(1, D_DETAIL))
    return d.reshape(B, K, D_DETAIL), dmask

# --- scband reference (transcript-rebuilt; emitter-appended) ---
"""Pipeline reference for scband-detail-encoder-6640019440245 (READ-ONLY COPY).

The authoritative reference and input builder live on the scoring server;
editing this copy changes nothing except your own understanding.
"""

import jax, jax.numpy as jnp
import numpy as np

D_MODEL = 768
D_DETAIL = 384
MAX_DETAIL = 32
B, S = 4, 8192


def setup_inputs(seed: int = 0) -> dict:
    key = jax.random.key(seed)
    ks = jax.random.split(key, 8)
    hidden_states = jax.random.normal(ks[0], (B, S, D_MODEL), dtype=jnp.float32)
    attention_mask = jax.random.randint(ks[1], (B, S), 0, 2).astype(jnp.int32)
    sc = 0.02
    Ws1 = (jax.random.normal(ks[2], (D_MODEL, D_MODEL // 4)) * sc).astype(jnp.float32)
    bs1 = jnp.zeros((D_MODEL // 4,), dtype=jnp.float32)
    Ws2 = (jax.random.normal(ks[3], (D_MODEL // 4, 1)) * sc).astype(jnp.float32)
    bs2 = jnp.zeros((1,), dtype=jnp.float32)
    Wp1 = (jax.random.normal(ks[4], (D_MODEL, D_DETAIL)) * sc).astype(jnp.float32)
    bp1 = jnp.zeros((D_DETAIL,), dtype=jnp.float32)
    Wp2 = (jax.random.normal(ks[5], (D_DETAIL, D_DETAIL)) * sc).astype(jnp.float32)
    bp2 = jnp.zeros((D_DETAIL,), dtype=jnp.float32)
    gamma = jnp.ones((D_DETAIL,), dtype=jnp.float32)
    beta = jnp.zeros((D_DETAIL,), dtype=jnp.float32)
    return {
        'hidden_states': hidden_states, 'attention_mask': attention_mask,
        'Ws1': Ws1, 'bs1': bs1, 'Ws2': Ws2, 'bs2': bs2,
        'Wp1': Wp1, 'bp1': bp1, 'Wp2': Wp2, 'bp2': bp2,
        'gamma': gamma, 'beta': beta,
    }


def reference(hidden_states, attention_mask, Ws1, bs1, Ws2, bs2, Wp1, bp1, Wp2, bp2, gamma, beta):
    # scorer: Linear -> GELU -> Linear -> squeeze
    s = jax.nn.gelu(hidden_states @ Ws1 + bs1, approximate=False)
    scores = jnp.squeeze(s @ Ws2 + bs2, axis=-1)  # [B, S]
    scores = jnp.where(attention_mask == 0, -jnp.inf, scores)
    num_select = min(MAX_DETAIL, S)
    top_scores, top_indices = jax.lax.top_k(scores, num_select)  # [B, k]
    # gather selected hidden states: [B, k, d_model]
    selected = jnp.take_along_axis(hidden_states, top_indices[..., None], axis=1)
    # proj: Linear -> GELU -> (Dropout eval=identity) -> Linear
    d = jax.nn.gelu(selected @ Wp1 + bp1, approximate=False)
    d = d @ Wp2 + bp2
    # LayerNorm
    mu = jnp.mean(d, axis=-1, keepdims=True)
    var = jnp.var(d, axis=-1, keepdims=True)
    d = (d - mu) / jnp.sqrt(var + 1e-5) * gamma + beta
    detail_mask = (top_scores > -jnp.inf).astype(jnp.float32)
    return d, detail_mask

if __name__ == "__main__":
    import jax
    _d = setup_inputs()
    print(jax.jit(kernel)(*tuple(_d.values())))

</pallas_src>

<mosaic_0001>
#map = affine_map<(d0, d1) -> (0, 0)>
#map1 = affine_map<(d0, d1) -> (0)>
module attributes {stable_mosaic.version = 14 : i64} {
  func.func @_sc_gather_body(%arg0: i32, %arg1: i32, %arg2: memref<32768x768xf32, #tpu.memory_space<hbm>>, %arg3: memref<128xi32, #tpu.memory_space<hbm>>, %arg4: memref<128x768xf32, #tpu.memory_space<hbm>>, %arg5: memref<8xi32, #tpu.memory_space<vmem>>, %arg6: memref<8x768xf32, #tpu.memory_space<vmem>>, %arg7: memref<!tpu.dma_semaphore, #tpu.memory_space<semaphore_mem>>) attributes {dimension_semantics = [#tpu.dimension_semantics<core_parallel>, #tpu.dimension_semantics<subcore_parallel>], iteration_bounds = array<i64: 2, 16>, scalar_prefetch = 0 : i64, scratch_operands = 3 : i64, tpu.core_type = #tpu.core_type<sc_vector_subcore>, window_params = [{transform_indices = #map}, {transform_indices = #map1}, {transform_indices = #map}]} {
    %mul3A = arith.constant 2 : i32
    %mul3A_0 = arith.muli %arg1, %mul3A : i32
    %add3A = arith.addi %mul3A_0, %arg0 : i32
    %lt3A = arith.constant 16 : i32
    %lt3A_1 = arith.cmpi slt, %add3A, %lt3A : i32
    %convert_element_type3A = arith.extui %lt3A_1 : i1 to i32
    %cond3A = arith.constant 0 : i32
    %cond3A_2 = arith.cmpi ne, %convert_element_type3A, %cond3A : i32
    scf.if %cond3A_2 {
      %mul3A_3 = arith.constant 8 : i32
      %mul3A_4 = arith.muli %add3A, %mul3A_3 : i32
      "tpu.region"() ({
        %run_scoped3A = tpu.sem_alloc : memref<!tpu.dma_semaphore, #tpu.memory_space<semaphore_mem>>
        %dma_start3A_9 = tpu.memref_slice %arg3[%mul3A_4] : memref<128xi32, #tpu.memory_space<hbm>> -> memref<8xi32, #tpu.memory_space<hbm>>
        %dma_start3A_10 = tpu.memref_slice %arg3[%mul3A_4] : memref<128xi32, #tpu.memory_space<hbm>> -> memref<8xi32, #tpu.memory_space<hbm>>
        tpu.enqueue_dma source(%dma_start3A_10 : memref<8xi32, #tpu.memory_space<hbm>>) target(%arg5 : memref<8xi32, #tpu.memory_space<vmem>>) target_semaphore(%run_scoped3A : memref<!tpu.dma_semaphore, #tpu.memory_space<semaphore_mem>>)
        %dma_wait3A_11 = tpu.memref_slice %arg3[%mul3A_4] : memref<128xi32, #tpu.memory_space<hbm>> -> memref<8xi32, #tpu.memory_space<hbm>>
        %dma_wait3A_12 = tpu.memref_slice %arg3[%mul3A_4] : memref<128xi32, #tpu.memory_space<hbm>> -> memref<8xi32, #tpu.memory_space<hbm>>
        tpu.wait_dma2 semaphore(%run_scoped3A : memref<!tpu.dma_semaphore, #tpu.memory_space<semaphore_mem>>) src(%dma_wait3A_12 : memref<8xi32, #tpu.memory_space<hbm>>) dst(%arg5 : memref<8xi32, #tpu.memory_space<vmem>>)
        tpu.yield
      }) : () -> ()
      %dma_start3A = arith.constant 0 : i32
      %dma_start3A_5 = arith.constant 0 : i32
      %dma_start3A_6 = tpu.memref_slice %arg2[%dma_start3A, %dma_start3A_5] : memref<32768x768xf32, #tpu.memory_space<hbm>> -> memref<32768x768xf32, #tpu.memory_space<hbm>>
      tpu.enqueue_indirect_dma source(%dma_start3A_6 : memref<32768x768xf32, #tpu.memory_space<hbm>>) target(%arg6 : memref<8x768xf32, #tpu.memory_space<vmem>>) offsets(%arg5 : memref<8xi32, #tpu.memory_space<vmem>>) semaphore(%arg7 : memref<!tpu.dma_semaphore, #tpu.memory_space<semaphore_mem>>)
      %dma_wait3A = arith.constant 0 : i32
      %dma_wait3A_7 = arith.constant 0 : i32
      %dma_wait3A_8 = tpu.memref_slice %arg2[%dma_wait3A, %dma_wait3A_7] : memref<32768x768xf32, #tpu.memory_space<hbm>> -> memref<32768x768xf32, #tpu.memory_space<hbm>>
      tpu.wait_indirect_dma semaphore(%arg7 : memref<!tpu.dma_semaphore, #tpu.memory_space<semaphore_mem>>) src(%dma_wait3A_8 : memref<32768x768xf32, #tpu.memory_space<hbm>>) dst(%arg6 : memref<8x768xf32, #tpu.memory_space<vmem>>)
      "tpu.region"() ({
        %run_scoped3A = tpu.sem_alloc : memref<!tpu.dma_semaphore, #tpu.memory_space<semaphore_mem>>
        %dma_start3A_9 = arith.constant 0 : i32
        %dma_start3A_10 = tpu.memref_slice %arg4[%mul3A_4, %dma_start3A_9] : memref<128x768xf32, #tpu.memory_space<hbm>> -> memref<8x768xf32, #tpu.memory_space<hbm>>
        %dma_start3A_11 = arith.constant 0 : i32
        %dma_start3A_12 = tpu.memref_slice %arg4[%mul3A_4, %dma_start3A_11] : memref<128x768xf32, #tpu.memory_space<hbm>> -> memref<8x768xf32, #tpu.memory_space<hbm>>
        tpu.enqueue_dma source(%arg6 : memref<8x768xf32, #tpu.memory_space<vmem>>) target(%dma_start3A_12 : memref<8x768xf32, #tpu.memory_space<hbm>>) target_semaphore(%run_scoped3A : memref<!tpu.dma_semaphore, #tpu.memory_space<semaphore_mem>>)
        %dma_wait3A_13 = arith.constant 0 : i32
        %dma_wait3A_14 = tpu.memref_slice %arg4[%mul3A_4, %dma_wait3A_13] : memref<128x768xf32, #tpu.memory_space<hbm>> -> memref<8x768xf32, #tpu.memory_space<hbm>>
        %dma_wait3A_15 = arith.constant 0 : i32
        %dma_wait3A_16 = tpu.memref_slice %arg4[%mul3A_4, %dma_wait3A_15] : memref<128x768xf32, #tpu.memory_space<hbm>> -> memref<8x768xf32, #tpu.memory_space<hbm>>
        tpu.wait_dma2 semaphore(%run_scoped3A : memref<!tpu.dma_semaphore, #tpu.memory_space<semaphore_mem>>) src(%arg6 : memref<8x768xf32, #tpu.memory_space<vmem>>) dst(%dma_wait3A_16 : memref<8x768xf32, #tpu.memory_space<hbm>>)
        tpu.yield
      }) : () -> ()
    } else {
    }
    return
  }
}

module attributes {stable_mosaic.version = 14 : i64} {
  func.func @_score_topk_body(%arg0: i32, %arg1: i32, %arg2: memref<4096x768xf32, #tpu.memory_space<vmem>>, %arg3: memref<1x1x4096xi32, #tpu.memory_space<vmem>>, %arg4: memref<768x192xf32, #tpu.memory_space<vmem>>, %arg5: memref<1x192xf32, #tpu.memory_space<vmem>>, %arg6: memref<1x192xf32, #tpu.memory_space<vmem>>, %arg7: memref<1x1xf32, #tpu.memory_space<vmem>>, %arg8: memref<4x32xi32, #tpu.memory_space<vmem>>, %arg9: memref<4x32xf32, #tpu.memory_space<vmem>>, %arg10: memref<4x8192xf32, #tpu.memory_space<vmem>>) attributes {dimension_semantics = [#tpu.dimension_semantics<arbitrary>, #tpu.dimension_semantics<arbitrary>], iteration_bounds = array<i64: 4, 2>, scalar_prefetch = 0 : i64, scratch_operands = 1 : i64, tpu.core_type = #tpu.core_type<tc>, window_params = [{transform_indices = @transform_0, window_bounds = array<i64: 4096, 768>}, {transform_indices = @transform_1, window_bounds = array<i64: 1, 1, 4096>}, {pipeline_mode = #tpu.pipeline_mode<synchronous>, transform_indices = @transform_2, window_bounds = array<i64: 768, 192>}, {pipeline_mode = #tpu.pipeline_mode<synchronous>, transform_indices = @transform_3, window_bounds = array<i64: 1, 192>}, {pipeline_mode = #tpu.pipeline_mode<synchronous>, transform_indices = @transform_4, window_bounds = array<i64: 1, 192>}, {pipeline_mode = #tpu.pipeline_mode<synchronous>, transform_indices = @transform_5, window_bounds = array<i64: 1, 1>}, {pipeline_mode = #tpu.pipeline_mode<synchronous>, transform_indices = @transform_6, window_bounds = array<i64: 4, 32>}, {pipeline_mode = #tpu.pipeline_mode<synchronous>, transform_indices = @transform_7, window_bounds = array<i64: 4, 32>}]} {
    %get3A = arith.constant 0 : index
    %get3A_0 = arith.constant 0 : index
    %get3A_1 = vector.load %arg2[%get3A, %get3A_0] : memref<4096x768xf32, #tpu.memory_space<vmem>>, vector<4096x768xf32>
    %get3A_2 = arith.constant 0 : index
    %get3A_3 = arith.constant 0 : index
    %get3A_4 = vector.load %arg4[%get3A_2, %get3A_3] : memref<768x192xf32, #tpu.memory_space<vmem>>, vector<768x192xf32>
    %dot_general3A = arith.constant dense<0.000000e+00> : vector<4096x192xf32>
    %dot_general3A_5 = tpu.matmul %get3A_1, %get3A_4, %dot_general3A {dimension_numbers = #tpu.dot_dimension_numbers<[1], [0], [0], [1], [0, 0, 1, 1], [], []>, transpose_lhs_hint = false} : vector<4096x768xf32>, vector<768x192xf32>, vector<4096x192xf32> -> vector<4096x192xf32>
    %get3A_6 = arith.constant 0 : index
    %get3A_7 = arith.constant 0 : index
    %get3A_8 = vector.load %arg5[%get3A_6, %get3A_7] : memref<1x192xf32, #tpu.memory_space<vmem>>, vector<1x192xf32>
    %add3A = vector.broadcast %get3A_8 : vector<1x192xf32> to vector<4096x192xf32>
    %add3A_9 = arith.addf %dot_general3A_5, %add3A : vector<4096x192xf32>
    %mul3A = arith.constant 5.000000e-01 : f32
    %mul3A_10 = vector.broadcast %mul3A : f32 to vector<4096x192xf32>
    %mul3A_11 = arith.mulf %mul3A_10, %add3A_9 : vector<4096x192xf32>
    %mul3A_12 = arith.constant 0.707106769 : f32
    %mul3A_13 = vector.broadcast %mul3A_12 : f32 to vector<4096x192xf32>
    %mul3A_14 = arith.mulf %add3A_9, %mul3A_13 : vector<4096x192xf32>
    %erf3A = math.erf %mul3A_14 : vector<4096x192xf32>
    %add3A_15 = arith.constant 1.000000e+00 : f32
    %add3A_16 = vector.broadcast %add3A_15 : f32 to vector<4096x192xf32>
    %add3A_17 = arith.addf %add3A_16, %erf3A : vector<4096x192xf32>
    %mul3A_18 = arith.mulf %mul3A_11, %add3A_17 : vector<4096x192xf32>
    %get3A_19 = arith.constant 0 : index
    %get3A_20 = arith.constant 0 : index
    %get3A_21 = vector.load %arg6[%get3A_19, %get3A_20] : memref<1x192xf32, #tpu.memory_space<vmem>>, vector<1x192xf32>
    %dot_general3A_22 = arith.constant dense<0.000000e+00> : vector<1x4096xf32>
    %dot_general3A_23 = tpu.matmul %get3A_21, %mul3A_18, %dot_general3A_22 {dimension_numbers = #tpu.dot_dimension_numbers<[1], [1], [0], [0], [0, 0, 1, 0], [], []>, transpose_lhs_hint = false} : vector<1x192xf32>, vector<4096x192xf32>, vector<1x4096xf32> -> vector<1x4096xf32>
    %get3A_24 = arith.constant 0 : index
    %get3A_25 = arith.constant 0 : index
    %get3A_26 = vector.load %arg7[%get3A_24, %get3A_25] : memref<1x1xf32, #tpu.memory_space<vmem>>, vector<1x1xf32>
    %add3A_27 = vector.broadcast %get3A_26 : vector<1x1xf32> to vector<1x4096xf32>
    %add3A_28 = arith.addf %dot_general3A_23, %add3A_27 : vector<1x4096xf32>
    %get3A_29 = arith.constant 0 : index
    %get3A_30 = arith.constant 0 : index
    %get3A_31 = arith.constant 0 : index
    %get3A_32 = vector.load %arg3[%get3A_29, %get3A_30, %get3A_31] : memref<1x1x4096xi32, #tpu.memory_space<vmem>>, vector<1x1x4096xi32>
    %get3A_33 = vector.shape_cast %get3A_32 : vector<1x1x4096xi32> to vector<1x4096xi32>
    %eq3A = arith.constant 0 : i32
    %eq3A_34 = vector.broadcast %eq3A : i32 to vector<1x4096xi32>
    %eq3A_35 = arith.cmpi eq, %get3A_33, %eq3A_34 : vector<1x4096xi32>
    %jit3A = arith.constant -3.40282347E+38 : f32
    %broadcast_in_dim3A = vector.broadcast %jit3A : f32 to vector<1x4096xf32>
    %select_n3A = arith.select %eq3A_35, %broadcast_in_dim3A, %add3A_28 : vector<1x4096xi1>, vector<1x4096xf32>
    %mul3A_36 = arith.constant 4096 : i32
    %mul3A_37 = arith.muli %arg1, %mul3A_36 : i32
    %swap3A = arith.index_cast %arg0 : i32 to index
    %swap3A_38 = arith.index_cast %mul3A_37 : i32 to index
    %swap3A_39 = vector.load %arg10[%swap3A, %swap3A_38] : memref<4x8192xf32, #tpu.memory_space<vmem>>, vector<1x4096xf32>
    tpu.vector_store %arg10[%swap3A, %swap3A_38], %select_n3A {strides = array<i32>} : memref<4x8192xf32, #tpu.memory_space<vmem>>, vector<1x4096xf32>,
    %eq3A_40 = arith.constant 3 : i32
    %eq3A_41 = arith.cmpi eq, %arg0, %eq3A_40 : i32
    %eq3A_42 = arith.constant 1 : i32
    %eq3A_43 = arith.cmpi eq, %arg1, %eq3A_42 : i32
    %and3A = arith.andi %eq3A_41, %eq3A_43 : i1
    %convert_element_type3A = arith.extui %and3A : i1 to i32
    %cond3A = arith.constant 0 : i32
    %cond3A_44 = arith.cmpi ne, %convert_element_type3A, %cond3A : i32
    scf.if %cond3A_44 {
      %iota3A = tpu.iota {dimensions = array<i32: 1>} : vector<4x8192xi32>
      %iota3A_45 = tpu.iota {dimensions = array<i32: 1>} : vector<4x32xi32>
      %broadcast_in_dim3A_46 = arith.constant 0 : i32
      %broadcast_in_dim3A_47 = vector.broadcast %broadcast_in_dim3A_46 : i32 to vector<4x32xi32>
      %broadcast_in_dim3A_48 = arith.constant 0.000000e+00 : f32
      %broadcast_in_dim3A_49 = vector.broadcast %broadcast_in_dim3A_48 : f32 to vector<4x32xf32>
      %scan3A = arith.constant 0 : i32
      %scan3A_50 = arith.constant 32 : i32
      %scan3A_51 = arith.addi %scan3A, %scan3A_50 : i32
      %scan3A_52 = arith.constant 1 : i32
      %scan3A_53:2 = scf.for %scan3A_66 = %scan3A to %scan3A_51 step %scan3A_52 iter_args(%scan3A_67 = %broadcast_in_dim3A_47, %scan3A_68 = %broadcast_in_dim3A_49) -> (vector<4x32xi32>, vector<4x32xf32>)  : i32 {
        %get3A_69 = arith.constant 0 : index
        %get3A_70 = arith.constant 0 : index
        %get3A_71 = vector.load %arg10[%get3A_69, %get3A_70] : memref<4x8192xf32, #tpu.memory_space<vmem>>, vector<4x8192xf32>
        %reduce_max3A = arith.constant dense<0xFF800000> : vector<4xf32>
        %reduce_max3A_72 = vector.multi_reduction <maximumf>, %get3A_71, %reduce_max3A [1] : vector<4x8192xf32> to vector<4xf32>
        %broadcast_in_dim3A_73 = vector.shape_cast %reduce_max3A_72 : vector<4xf32> to vector<4x1xf32>
        %eq3A_74 = vector.broadcast %broadcast_in_dim3A_73 : vector<4x1xf32> to vector<4x8192xf32>
        %eq3A_75 = arith.cmpf oeq, %get3A_71, %eq3A_74 : vector<4x8192xf32>
        %jit3A_76 = arith.constant 8192 : i32
        %broadcast_in_dim3A_77 = vector.broadcast %jit3A_76 : i32 to vector<4x8192xi32>
        %select_n3A_78 = arith.select %eq3A_75, %iota3A, %broadcast_in_dim3A_77 : vector<4x8192xi1>, vector<4x8192xi32>
        %reduce_min3A = arith.constant dense<2147483647> : vector<4xi32>
        %reduce_min3A_79 = vector.multi_reduction <minsi>, %select_n3A_78, %reduce_min3A [1] : vector<4x8192xi32> to vector<4xi32>
        %broadcast_in_dim3A_80 = vector.shape_cast %reduce_min3A_79 : vector<4xi32> to vector<4x1xi32>
        %eq3A_81 = vector.broadcast %broadcast_in_dim3A_80 : vector<4x1xi32> to vector<4x8192xi32>
        %eq3A_82 = arith.cmpi eq, %iota3A, %eq3A_81 : vector<4x8192xi32>
        %jit3A_83 = arith.constant 0xFF800000 : f32
        %broadcast_in_dim3A_84 = vector.broadcast %jit3A_83 : f32 to vector<4x8192xf32>
        %select_n3A_85 = arith.select %eq3A_82, %broadcast_in_dim3A_84, %get3A_71 : vector<4x8192xi1>, vector<4x8192xf32>
        %swap3A_86 = arith.constant 0 : index
        %swap3A_87 = arith.constant 0 : index
        %swap3A_88 = vector.load %arg10[%swap3A_86, %swap3A_87] : memref<4x8192xf32, #tpu.memory_space<vmem>>, vector<4x8192xf32>
        tpu.vector_store %arg10[%swap3A_86, %swap3A_87], %select_n3A_85 {strides = array<i32>} : memref<4x8192xf32, #tpu.memory_space<vmem>>, vector<4x8192xf32>,
        %eq3A_89 = vector.broadcast %scan3A_66 : i32 to vector<4x32xi32>
        %eq3A_90 = arith.cmpi eq, %iota3A_45, %eq3A_89 : vector<4x32xi32>
        %broadcast_in_dim3A_91 = vector.shape_cast %broadcast_in_dim3A_80 : vector<4x1xi32> to vector<4x1xi32>
        %broadcast_in_dim3A_92 = vector.broadcast %broadcast_in_dim3A_91 : vector<4x1xi32> to vector<4x32xi32>
        %select_n3A_93 = arith.select %eq3A_90, %broadcast_in_dim3A_92, %scan3A_67 : vector<4x32xi1>, vector<4x32xi32>
        %gt3A = arith.constant -3.000000e+38 : f32
        %gt3A_94 = vector.broadcast %gt3A : f32 to vector<4x1xf32>
        %gt3A_95 = arith.cmpf ogt, %broadcast_in_dim3A_73, %gt3A_94 : vector<4x1xf32>
        %jit3A_96 = arith.constant 1.000000e+00 : f32
        %jit3A_97 = arith.constant 0.000000e+00 : f32
        %broadcast_in_dim3A_98 = vector.broadcast %jit3A_96 : f32 to vector<4x1xf32>
        %broadcast_in_dim3A_99 = vector.broadcast %jit3A_97 : f32 to vector<4x1xf32>
        %select_n3A_100 = arith.select %gt3A_95, %broadcast_in_dim3A_98, %broadcast_in_dim3A_99 : vector<4x1xi1>, vector<4x1xf32>
        %eq3A_101 = vector.broadcast %scan3A_66 : i32 to vector<4x32xi32>
        %eq3A_102 = arith.cmpi eq, %iota3A_45, %eq3A_101 : vector<4x32xi32>
        %broadcast_in_dim3A_103 = vector.shape_cast %select_n3A_100 : vector<4x1xf32> to vector<4x1xf32>
        %broadcast_in_dim3A_104 = vector.broadcast %broadcast_in_dim3A_103 : vector<4x1xf32> to vector<4x32xf32>
        %select_n3A_105 = arith.select %eq3A_102, %broadcast_in_dim3A_104, %scan3A_68 : vector<4x32xi1>, vector<4x32xf32>
        scf.yield %select_n3A_93, %select_n3A_105 : vector<4x32xi32>, vector<4x32xf32>
      }
      %scan3A_54 = arith.constant 32 : i32
      %iota3A_55 = tpu.iota {dimensions = array<i32: 0>} : vector<4x32xi32>
      %mul3A_56 = arith.constant 8192 : i32
      %mul3A_57 = vector.broadcast %mul3A_56 : i32 to vector<4x32xi32>
      %mul3A_58 = arith.muli %iota3A_55, %mul3A_57 : vector<4x32xi32>
      %add3A_59 = arith.addi %scan3A_53#0, %mul3A_58 : vector<4x32xi32>
      %swap3A_60 = arith.constant 0 : index
      %swap3A_61 = arith.constant 0 : index
      %swap3A_62 = vector.load %arg8[%swap3A_60, %swap3A_61] : memref<4x32xi32, #tpu.memory_space<vmem>>, vector<4x32xi32>
      tpu.vector_store %arg8[%swap3A_60, %swap3A_61], %add3A_59 {strides = array<i32>} : memref<4x32xi32, #tpu.memory_space<vmem>>, vector<4x32xi32>,
      %swap3A_63 = arith.constant 0 : index
      %swap3A_64 = arith.constant 0 : index
      %swap3A_65 = vector.load %arg9[%swap3A_63, %swap3A_64] : memref<4x32xf32, #tpu.memory_space<vmem>>, vector<4x32xf32>
      tpu.vector_store %arg9[%swap3A_63, %swap3A_64], %scan3A_53#1 {strides = array<i32>} : memref<4x32xf32, #tpu.memory_space<vmem>>, vector<4x32xf32>,
    } else {
    }
    return
  }
  func.func @transform_0(%arg0: i32, %arg1: i32) -> (i32, i32) {
    %mul3A = arith.constant 2 : i32
    %mul3A_0 = arith.muli %arg0, %mul3A : i32
    %add3A = arith.addi %mul3A_0, %arg1 : i32
    %c0_i32 = arith.constant 0 : i32
    %c0_i32_1 = arith.constant 0 : i32
    return %add3A, %c0_i32 : i32, i32
  }
  func.func @transform_1(%arg0: i32, %arg1: i32) -> (i32, i32, i32) {
    %mul3A = arith.constant 2 : i32
    %mul3A_0 = arith.muli %arg0, %mul3A : i32
    %add3A = arith.addi %mul3A_0, %arg1 : i32
    %c0_i32 = arith.constant 0 : i32
    %c0_i32_1 = arith.constant 0 : i32
    %c0_i32_2 = arith.constant 0 : i32
    return %add3A, %c0_i32, %c0_i32_1 : i32, i32, i32
  }
  func.func @transform_2(%arg0: i32, %arg1: i32) -> (i32, i32) {
    %c0_i32 = arith.constant 0 : i32
    %c0_i32_0 = arith.constant 0 : i32
    %c0_i32_1 = arith.constant 0 : i32
    return %c0_i32, %c0_i32_0 : i32, i32
  }
  func.func @transform_3(%arg0: i32, %arg1: i32) -> (i32, i32) {
    %c0_i32 = arith.constant 0 : i32
    %c0_i32_0 = arith.constant 0 : i32
    %c0_i32_1 = arith.constant 0 : i32
    return %c0_i32, %c0_i32_0 : i32, i32
  }
  func.func @transform_4(%arg0: i32, %arg1: i32) -> (i32, i32) {
    %c0_i32 = arith.constant 0 : i32
    %c0_i32_0 = arith.constant 0 : i32
    %c0_i32_1 = arith.constant 0 : i32
    return %c0_i32, %c0_i32_0 : i32, i32
  }
  func.func @transform_5(%arg0: i32, %arg1: i32) -> (i32, i32) {
    %c0_i32 = arith.constant 0 : i32
    %c0_i32_0 = arith.constant 0 : i32
    %c0_i32_1 = arith.constant 0 : i32
    return %c0_i32, %c0_i32_0 : i32, i32
  }
  func.func @transform_6(%arg0: i32, %arg1: i32) -> (i32, i32) {
    %c0_i32 = arith.constant 0 : i32
    %c0_i32_0 = arith.constant 0 : i32
    %c0_i32_1 = arith.constant 0 : i32
    return %c0_i32, %c0_i32_0 : i32, i32
  }
  func.func @transform_7(%arg0: i32, %arg1: i32) -> (i32, i32) {
    %c0_i32 = arith.constant 0 : i32
    %c0_i32_0 = arith.constant 0 : i32
    %c0_i32_1 = arith.constant 0 : i32
    return %c0_i32, %c0_i32_0 : i32, i32
  }
}

module attributes {stable_mosaic.version = 14 : i64} {
  func.func @_mlp_body(%arg0: memref<128x768xf32, #tpu.memory_space<vmem>>, %arg1: memref<768x384xf32, #tpu.memory_space<vmem>>, %arg2: memref<1x384xf32, #tpu.memory_space<vmem>>, %arg3: memref<384x384xf32, #tpu.memory_space<vmem>>, %arg4: memref<1x384xf32, #tpu.memory_space<vmem>>, %arg5: memref<1x384xf32, #tpu.memory_space<vmem>>, %arg6: memref<1x384xf32, #tpu.memory_space<vmem>>, %arg7: memref<128x384xf32, #tpu.memory_space<vmem>>) attributes {dimension_semantics = [], scalar_prefetch = 0 : i64, scratch_operands = 0 : i64, tpu.core_type = #tpu.core_type<tc>} {
    %get3A = arith.constant 0 : index
    %get3A_0 = arith.constant 0 : index
    %get3A_1 = vector.load %arg0[%get3A, %get3A_0] : memref<128x768xf32, #tpu.memory_space<vmem>>, vector<128x768xf32>
    %get3A_2 = arith.constant 0 : index
    %get3A_3 = arith.constant 0 : index
    %get3A_4 = vector.load %arg1[%get3A_2, %get3A_3] : memref<768x384xf32, #tpu.memory_space<vmem>>, vector<768x384xf32>
    %dot_general3A = arith.constant dense<0.000000e+00> : vector<128x384xf32>
    %dot_general3A_5 = tpu.matmul %get3A_1, %get3A_4, %dot_general3A {dimension_numbers = #tpu.dot_dimension_numbers<[1], [0], [0], [1], [0, 0, 1, 1], [], []>, transpose_lhs_hint = false} : vector<128x768xf32>, vector<768x384xf32>, vector<128x384xf32> -> vector<128x384xf32>
    %get3A_6 = arith.constant 0 : index
    %get3A_7 = arith.constant 0 : index
    %get3A_8 = vector.load %arg2[%get3A_6, %get3A_7] : memref<1x384xf32, #tpu.memory_space<vmem>>, vector<1x384xf32>
    %add3A = vector.broadcast %get3A_8 : vector<1x384xf32> to vector<128x384xf32>
    %add3A_9 = arith.addf %dot_general3A_5, %add3A : vector<128x384xf32>
    %mul3A = arith.constant 5.000000e-01 : f32
    %mul3A_10 = vector.broadcast %mul3A : f32 to vector<128x384xf32>
    %mul3A_11 = arith.mulf %mul3A_10, %add3A_9 : vector<128x384xf32>
    %mul3A_12 = arith.constant 0.707106769 : f32
    %mul3A_13 = vector.broadcast %mul3A_12 : f32 to vector<128x384xf32>
    %mul3A_14 = arith.mulf %add3A_9, %mul3A_13 : vector<128x384xf32>
    %erf3A = math.erf %mul3A_14 : vector<128x384xf32>
    %add3A_15 = arith.constant 1.000000e+00 : f32
    %add3A_16 = vector.broadcast %add3A_15 : f32 to vector<128x384xf32>
    %add3A_17 = arith.addf %add3A_16, %erf3A : vector<128x384xf32>
    %mul3A_18 = arith.mulf %mul3A_11, %add3A_17 : vector<128x384xf32>
    %get3A_19 = arith.constant 0 : index
    %get3A_20 = arith.constant 0 : index
    %get3A_21 = vector.load %arg3[%get3A_19, %get3A_20] : memref<384x384xf32, #tpu.memory_space<vmem>>, vector<384x384xf32>
    %dot_general3A_22 = arith.constant dense<0.000000e+00> : vector<128x384xf32>
    %dot_general3A_23 = tpu.matmul %mul3A_18, %get3A_21, %dot_general3A_22 {dimension_numbers = #tpu.dot_dimension_numbers<[1], [0], [0], [1], [0, 0, 1, 1], [], []>, transpose_lhs_hint = false} : vector<128x384xf32>, vector<384x384xf32>, vector<128x384xf32> -> vector<128x384xf32>
    %get3A_24 = arith.constant 0 : index
    %get3A_25 = arith.constant 0 : index
    %get3A_26 = vector.load %arg4[%get3A_24, %get3A_25] : memref<1x384xf32, #tpu.memory_space<vmem>>, vector<1x384xf32>
    %add3A_27 = vector.broadcast %get3A_26 : vector<1x384xf32> to vector<128x384xf32>
    %add3A_28 = arith.addf %dot_general3A_23, %add3A_27 : vector<128x384xf32>
    %reduce_sum3A = arith.constant dense<0.000000e+00> : vector<128xf32>
    %reduce_sum3A_29 = vector.multi_reduction <add>, %add3A_28, %reduce_sum3A [1] : vector<128x384xf32> to vector<128xf32>
    %broadcast_in_dim3A = vector.shape_cast %reduce_sum3A_29 : vector<128xf32> to vector<128x1xf32>
    %div3A = arith.constant 3.840000e+02 : f32
    %div3A_30 = vector.broadcast %div3A : f32 to vector<128x1xf32>
    %div3A_31 = arith.divf %broadcast_in_dim3A, %div3A_30 : vector<128x1xf32>
    %sub3A = vector.broadcast %div3A_31 : vector<128x1xf32> to vector<128x384xf32>
    %sub3A_32 = arith.subf %add3A_28, %sub3A : vector<128x384xf32>
    %sub3A_33 = vector.broadcast %div3A_31 : vector<128x1xf32> to vector<128x384xf32>
    %sub3A_34 = arith.subf %add3A_28, %sub3A_33 : vector<128x384xf32>
    %mul3A_35 = arith.mulf %sub3A_32, %sub3A_34 : vector<128x384xf32>
    %reduce_sum3A_36 = arith.constant dense<0.000000e+00> : vector<128xf32>
    %reduce_sum3A_37 = vector.multi_reduction <add>, %mul3A_35, %reduce_sum3A_36 [1] : vector<128x384xf32> to vector<128xf32>
    %broadcast_in_dim3A_38 = vector.shape_cast %reduce_sum3A_37 : vector<128xf32> to vector<128x1xf32>
    %div3A_39 = arith.constant 3.840000e+02 : f32
    %div3A_40 = vector.broadcast %div3A_39 : f32 to vector<128x1xf32>
    %div3A_41 = arith.divf %broadcast_in_dim3A_38, %div3A_40 : vector<128x1xf32>
    %sub3A_42 = vector.broadcast %div3A_31 : vector<128x1xf32> to vector<128x384xf32>
    %sub3A_43 = arith.subf %add3A_28, %sub3A_42 : vector<128x384xf32>
    %add3A_44 = arith.constant 9.99999974E-6 : f32
    %add3A_45 = vector.broadcast %add3A_44 : f32 to vector<128x1xf32>
    %add3A_46 = arith.addf %div3A_41, %add3A_45 : vector<128x1xf32>
    %sqrt3A = math.sqrt %add3A_46 : vector<128x1xf32>
    %div3A_47 = vector.broadcast %sqrt3A : vector<128x1xf32> to vector<128x384xf32>
    %div3A_48 = arith.divf %sub3A_43, %div3A_47 : vector<128x384xf32>
    %get3A_49 = arith.constant 0 : index
    %get3A_50 = arith.constant 0 : index
    %get3A_51 = vector.load %arg5[%get3A_49, %get3A_50] : memref<1x384xf32, #tpu.memory_space<vmem>>, vector<1x384xf32>
    %mul3A_52 = vector.broadcast %get3A_51 : vector<1x384xf32> to vector<128x384xf32>
    %mul3A_53 = arith.mulf %div3A_48, %mul3A_52 : vector<128x384xf32>
    %get3A_54 = arith.constant 0 : index
    %get3A_55 = arith.constant 0 : index
    %get3A_56 = vector.load %arg6[%get3A_54, %get3A_55] : memref<1x384xf32, #tpu.memory_space<vmem>>, vector<1x384xf32>
    %add3A_57 = vector.broadcast %get3A_56 : vector<1x384xf32> to vector<128x384xf32>
    %add3A_58 = arith.addf %mul3A_53, %add3A_57 : vector<128x384xf32>
    %swap3A = arith.constant 0 : index
    %swap3A_59 = arith.constant 0 : index
    %swap3A_60 = vector.load %arg7[%swap3A, %swap3A_59] : memref<128x384xf32, #tpu.memory_space<vmem>>, vector<128x384xf32>
    tpu.vector_store %arg7[%swap3A, %swap3A_59], %add3A_58 {strides = array<i32>} : memref<128x384xf32, #tpu.memory_space<vmem>>, vector<128x384xf32>,
    return
  }
}

</mosaic_0001>

<sc_bundles>
// kernel: kernel.5.cloned.1.call-start
scs
__scs_entry_jumppad:
0x0: {  	(pc) =	sbr.rel $0x88, $3  }
0x1: {  	(tag) =	ssettag $0x0;
	lr =	simm.s32 $0x1  }
0x2: {  	[smem:$0x3F95] =	sst lr;
	_ =	strace $0xD0000000  }
0x3: {  	_ = 	snop  }
0x4: {  	_ = 	snop  }
0x5: {  	_ = 	snop  }
0x6: {  	_ = 	snop  }
0x7: {  	_ = 	snop  }
__scs_overlays_trampoline_lowered:
0x8: {  	[smem:$0x3FA4] =	sst s0  }
0x9: {  	[smem:$0x3FA5] =	sst s1  }
0xa: {  	[smem:$0x3FA6] =	sst s2  }
0xb: {  	[smem:$0x3FA7] =	sst s3  }
0xc: {  	[smem:$0x3FA8] =	sst s4  }
0xd: {  	[smem:$0x3FA9] =	sst s5  }
0xe: {  	[smem:$0x3FAA] =	sst s6  }
0xf: {  	[smem:$0x3FAB] =	sst s7  }
0x10: {  	[smem:$0x3FAC] =	sst s8  }
0x11: {  	[smem:$0x3FAD] =	sst s9;
	s0 =	simm.s32 @!p0 $0x0  }
0x12: {  	s1 =	sld [smem:$0x3F93];
	s0 =	simm.s32 @p0 $0x1  }
0x13: {  	[smem:$0x3FAE] =	sst s0;
	s0 =	simm.s32 @!p1 $0x0  }
0x14: {  	s2 =	sld [smem:$0x3F92];
	s0 =	simm.s32 @p1 $0x1  }
0x15: {  	[smem:$0x3FAF] =	sst s0;
	s0 =	simm.s32 @!p2 $0x0  }
0x16: {  	s3 =	sld [smem:$0x3FDB];
	s0 =	simm.s32 @p2 $0x1  }
0x17: {  	s4 =	simm.s32 $0x1BF5;
	[smem:$0x3FB1] =	sst s0  }
0x18: {  	s0 =	sld [smem:$0x3F94];
	_ =	swait.ge [sflag:s4], $0x0  }
0x19: {  	s7 =	sld [smem:$0x3F95]  }
0x1a: {  	s8 =	sadd.s32 $0xFFFFE003, lr  }
0x1b: {  	s9 =	sadd.s32 $0xFFFFFEF7, lr;
	s5 =	simm.s32 $0xFFFFFFFF;
	p2 =	slt.u32 s8, $0xFFFFF086  }
0x1c: {  	p1 =	slt.u32 s9, $0xF7A;
	s5 =	simm.s32 @!p2 $0x0  }
0x1d: {  	s5 =	simm.s32 @p1 $0x1;
	p0 =	seq.s32 s7, s2  }
0x1e: {  	s7 =	smul.u32 @!p0 $0xF7A, s2;
	p2 =	seq.s32 @!p0 s5, $0x0  }
0x1f: {  	s9 =	smul.u32 $0xF7A, s1;
	s8 =	simm.s32 @!p0 $0x1BF5;
	p2 =	por !p2, p0  }
0x20: {  	[sflag:s8] =	ssyncset.s32 @!p0 $0xFFFFF086;
	s6 =	sadd.s32 @!p0 s3, s7;
	s7 =	simm.s32 @!p0 $0x108  }
0x21: {  	s3 =	sadd.s32 s3, s9;
	s6 =	sadd.s32 @!p0 $0x88, s6;
	s7 =	simm.s32 @p2 $0x1082  }
0x22: {  	[simem:s7], [sflag:s8] =	dma.local @!p0 [hbm:s6], $0xF7A  }
0x23: {  	s9 =	sor.u32 $0xD0000000, s2;
	s6 =	simm.s32 $0x108;
	_ =	swait.ge @!p0 [sflag:s8], $0x0  }
0x24: {  	s3 =	sadd.s32 $0x88, s3;
	s6 =	simm.s32 @!p1 $0x1082;
	[sflag:s4] =	ssyncset.s32 $0xFFFFF086  }
0x25: {  	[simem:s6], [sflag:s4] =	dma.local [hbm:s3], $0xF7A  }
0x26: {  	[smem:$0x3F95] =	sst s1;
	(tag) =	ssettag s2;
	_ =	strace s9  }
0x27: {  	s1 =	sld [smem:$0x3FA5]  }
0x28: {  	s2 =	sld [smem:$0x3FA6]  }
0x29: {  	s4 =	sld [smem:$0x3FA8]  }
0x2a: {  	p0 =	seq.s32 s5, $0x0;
	s5 =	sld [smem:$0x3FA9]  }
0x2b: {  	s6 =	sld [smem:$0x3FAA]  }
0x2c: {  	s7 =	sld [smem:$0x3FAB]  }
0x2d: {  	s3 =	simm.s32 $0x108;
	s8 =	sld [smem:$0x3FAC]  }
0x2e: {  	s3 =	simm.s32 @!p0 $0x1082;
	s9 =	sld [smem:$0x3FAD]  }
0x2f: {  	lr =	sadd.s32 s0, s3;
	s0 =	sld [smem:$0x3FA4]  }
0x30: {  	s3 =	sld [smem:$0x3FA7]  }
0x31: {  	[smem:$0x3FB0] =	sst s10  }
0x32: {  	s10 =	sld [smem:$0x3FAE];
	_ =	sdelay $0x3  }
0x33: {  	p0 =	seq.s32 s10, $0x1;
	s10 =	sld [smem:$0x3FB0];
	_ =	sdelay $0x3  }
0x34: {  	[smem:$0x3FB0] =	sst s10  }
0x35: {  	s10 =	sld [smem:$0x3FAF];
	_ =	sdelay $0x3  }
0x36: {  	p1 =	seq.s32 s10, $0x1;
	s10 =	sld [smem:$0x3FB0];
	_ =	sdelay $0x3  }
0x37: {  	[smem:$0x3FB0] =	sst s10  }
0x38: {  	s10 =	sld [smem:$0x3FB1]  }
0x39: {  	_ = 	snop;
	(pc) =	sbr.ind lr, $3  }
0x3a: {  	_ = 	snop  }
0x3b: {  	_ = 	snop  }
0x3c: {  	p2 =	seq.s32 s10, $0x1;
	s10 =	sld [smem:$0x3FB0]  }
0x3d: {  	_ =	shalt  }
0x3e: {  	_ =	shalt  }
0x3f: {  	_ =	shalt  }
0x40: {  	_ =	shalt  }
0x41: {  	_ =	shalt  }
0x42: {  	_ =	shalt  }
0x43: {  	_ =	shalt  }
0x44: {  	_ =	shalt  }
0x45: {  	_ =	shalt  }
0x46: {  	_ =	shalt  }
0x47: {  	_ =	shalt  }
0x48: {  	_ =	shalt  }
0x49: {  	_ =	shalt  }
0x4a: {  	_ =	shalt  }
0x4b: {  	_ =	shalt  }
0x4c: {  	_ =	shalt  }
0x4d: {  	_ =	shalt  }
0x4e: {  	_ =	shalt  }
0x4f: {  	_ =	shalt  }
0x50: {  	_ =	shalt  }
0x51: {  	_ =	shalt  }
0x52: {  	_ =	shalt  }
0x53: {  	_ =	shalt  }
0x54: {  	_ =	shalt  }
0x55: {  	_ =	shalt  }
0x56: {  	_ =	shalt  }
0x57: {  	_ =	shalt  }
0x58: {  	_ =	shalt  }
0x59: {  	_ =	shalt  }
0x5a: {  	_ =	shalt  }
0x5b: {  	_ =	shalt  }
0x5c: {  	_ =	shalt  }
0x5d: {  	_ =	shalt  }
0x5e: {  	_ =	shalt  }
0x5f: {  	_ =	shalt  }
0x60: {  	_ =	shalt  }
0x61: {  	_ =	shalt  }
0x62: {  	_ =	shalt  }
0x63: {  	_ =	shalt  }
0x64: {  	_ =	shalt  }
0x65: {  	_ =	shalt  }
0x66: {  	_ =	shalt  }
0x67: {  	_ =	shalt  }
0x68: {  	_ =	shalt  }
0x69: {  	_ =	shalt  }
0x6a: {  	_ =	shalt  }
0x6b: {  	_ =	shalt  }
0x6c: {  	_ =	shalt  }
0x6d: {  	_ =	shalt  }
0x6e: {  	_ =	shalt  }
0x6f: {  	_ =	shalt  }
0x70: {  	_ =	shalt  }
0x71: {  	_ =	shalt  }
0x72: {  	_ =	shalt  }
0x73: {  	_ =	shalt  }
0x74: {  	_ =	shalt  }
0x75: {  	_ =	shalt  }
0x76: {  	_ =	shalt  }
0x77: {  	_ =	shalt  }
0x78: {  	_ =	shalt  }
0x79: {  	_ =	shalt  }
0x7a: {  	_ =	shalt  }
0x7b: {  	_ =	shalt  }
0x7c: {  	_ =	shalt  }
0x7d: {  	_ =	shalt  }
0x7e: {  	_ =	shalt  }
0x7f: {  	_ =	shalt  }
0x80: {  	_ =	shalt  }
0x81: {  	_ =	shalt  }
0x82: {  	_ =	shalt  }
0x83: {  	_ =	shalt  }
0x84: {  	_ =	shalt  }
0x85: {  	_ =	shalt  }
0x86: {  	_ =	shalt  }
0x87: {  	_ =	shalt  }
.Lfunc_end0:
.L_simem_size_0:
called_computation_lowered:
.L_overlay_start_0:
0x88: {  	s2 =	sld [smem:$0x3FD9]  }
0x89: {  	s3 =	sld [smem:$0x3FFE];
	_ =	sdelay $0x1  }
0x8a: {  	s1 =	srdreg.scid  }
0x8b: {  	s0 =	sand.u32 $0x1, s1  }
0x8c: {  	s14 =	sshll.u32 s0, $0xA;
	s2 =	sadd.s32 s3, s2  }
0x8d: {  	s2 =	sadd.s32 s2, s14  }
0x8e: {  	[smem:$0x3FBC] =	sst s2  }
0x8f: {  	_ = 	snop  }
0x90: {  	s2 =	sld [smem:$0x3FD0];
	_ =	sdelay $0x2  }
0x91: {  	s4 =	simm.s32 $0xA;
	s5 =	simm.s32 $0x10;
	s15 =	sld [smem:$0x3FC9]  }
0x92: {  	[smem:s5], [sflag:s4] =	dma.local [hbm:s2], $0x1  }
0x93: {  	_ =	swait.eq [sflag:s4], $0x1  }
0x94: {  	[sflag:s4] =	ssyncset.done $0x0  }
0x95: {  	[sflag:s4] =	ssyncadd.s32 $0xFFFFFFFF  }
0x96: {  	s16 =	sld [smem:$0x10];
	(tm) =	ssettm $0x1  }
0x97: {  	s17 =	sld [smem:$0x3FFB];
	_ =	sdelay $0x3  }
0x98: {  	_ =	strace s17  }
0x99: {  	s4 =	sld [smem:$0x3FFC];
	_ =	sdelay $0x3  }
0x9a: {  	_ =	strace s4  }
0x9b: {  	s4 =	sld [smem:$0x3FFD];
	_ =	sdelay $0x3  }
0x9c: {  	_ =	strace s4  }
0x9d: {  	_ =	strace $0x8FFFFFFF  }
0x9e: {  	s18 =	sld [smem:$0x3FDB];
	_ =	sdelay $0x1  }
0x9f: {  	s19 =	simm.s32 $_scs_section_size  }
0xa0: {  	s6 =	simm.s32 $_size__tile_overlayer_lowered;
	s7 =	simm.s32 $_tile_overlayer_lowered  }
0xa1: {  	s22 =	simm.s32 $0x1BFF;
	s21 =	sshll.u32 s7, $0x1;
	s4 =	sadd.s32 s19, s18  }
0xa2: {  	s8 =	simm.s32 $0x0;
	s20 =	sshll.u32 s6, $0x1;
	s6 =	sadd.s32 s21, s4  }
0xa3: {  	[timem:s8], [sflag:s22] =	dma.local [hbm:s6], s20  }
0xa4: {  	_ =	swait.ge [sflag:s22], s20  }
0xa5: {  	s5 =	ssub.s32 $0x0, s20;
	[sflag:s22] =	ssyncset.done $0x0  }
0xa6: {  	[sflag:s22] =	ssyncadd.s32 s5;
	_ =	sdelay $0x1  }
0xa7: {  	s23 =	simm.s32 $0x1B8B  }
0xa8: {  	_ =	swait.ge [sflag:s23], $0x1  }
0xa9: {  	[sflag:s23] =	ssyncset.done $0x0  }
0xaa: {  	s25 =	simm.s32 $0x1B8E;
	s24 =	sld [smem:$0x3FFE];
	[sflag:s23] =	ssyncadd.s32 $0xFFFFFFFF  }
0xab: {  	s26 =	simm.s32 $execute0_lowered;
	[smem:$0x3FD2] =	sst s25  }
0xac: {  	s6 =	sshll.u32 s26, $0x1;
	_ =	strace $0x80000046;
	[dreg:$0x1] =	wrdreg $0xFFFFFFFF  }
0xad: {  	s28 =	simm.s32 $_size_execute0_lowered;
	s4 =	sadd.s32 s4, s6;
	[dreg:$0x0] =	wrdreg $0x0  }
0xae: {  	s6 =	sshll.u32 s28, $0x1;
	[dreg:$0x2] =	wrdreg s4  }
0xaf: {  	[dreg:$0x3] =	wrdreg s6  }
0xb0: {  	[dreg:$0x4] =	wrdreg $0xC0  }
0xb1: {  	_ =	task [dreg:s8], $0x5FFFF  }
0xb2: {  	[dreg:$0x1] =	wrdreg $0xFFFFFFFF  }
0xb3: {  	[dreg:$0x0] =	wrdreg $0x60  }
0xb4: {  	[dreg:$0x2] =	wrdreg s15  }
0xb5: {  	[dreg:$0x3] =	wrdreg s16  }
0xb6: {  	[dreg:$0x4] =	wrdreg s24  }
0xb7: {  	[dreg:$0x5] =	wrdreg $0x9  }
0xb8: {  	_ =	task.clear_ibuf [dreg:s8], $0x6FFFF;
	_ =	strace $0x90000046  }
0xb9: {  	s29 =	simm.s32 $0x9;
	_ =	strace $0x80000048  }
0xba: {  	_ =	swait.ge [sflag:s29], $0x1  }
0xbb: {  	[sflag:s29] =	ssyncadd.s32 $0xFFFFFFFF  }
0xbc: {  	_ =	strace $0x90000048  }
0xbd: {  	_ =	sfence  }
0xbe: {  	s30 =	sld [smem:$0x0];
	_ =	sdelay $0x2  }
0xbf: {  	s31 =	sshll.u32 s1, $0xD;
	s1 =	sshrl.u32 s1, $0x2  }
0xc0: {  	s3 =	sand.u32 $0x4000, s31;
	s1 =	sadd.s32 s1, s30  }
0xc1: {  	s0 =	sor.u32 s3, s0;
	s1 =	sshll.u32 s1, $0x11  }
0xc2: {  	s0 =	sor.u32 s1, s0  }
0xc3: {  	s0 =	sadd.s32 $0x8F2B, s0  }
0xc4: {  	[sflag:s0] =	ssyncadd.remote.s32 $0x1  }
0xc5: {  	_ =	sfence.sel $0xFFFF  }
0xc6: {  	[dreg:$0x0] =	wrdreg $0xFFFFFFFF;
	(pc) =	sbr.abs _section_cstart, $3  }
0xc7: {  	[dreg:$0x1] =	wrdreg $0xFFFFFFFF  }
0xc8: {  	_ =	task.clear_ibuf [dreg:s8], $0x2FFFF;
	_ =	strace $0x9FFFFFFF  }
0xc9: {  	(tm) =	ssettm $0x7FFFFFFF  }
tec
execute0_lowered:
.L_overlay_start_1:
0x0: {  	(tag) =	ssettag $0x1  }
0x1: {  	s1 =	stileid.u32  }
0x2: {  	p0 =	sgt.u32 s1, $0x7  }
.Ltmp0:
0x3: {  	s2 =	rddreg [dreg:$0x0];
	(pc) =	sbr.rel @p0 .LBB2_4-.Ltmp0, $4  }
0x4: {  	s4 =	rddreg [dreg:$0x1]  }
0x5: {  	s12 =	rddreg [dreg:$0x2];
	s3 =	simm.s32 $0x0  }
0x6: {  	[smem:$0x7FF] =	sst s3  }
0x7: {  	s0 =	rddreg [dreg:$0x3];
	_ =	strace $0x80000047  }
0x8: {  	s5 =	srdreg.scid  }
0x9: {  	s30 =	sshll.u32 s1, $0x1;
	s10 =	sand.u32 $0x1, s5  }
0xa: {  	s6 =	sor.u32 s10, s30  }
0xb: {  	s5 =	sadd.s32 s4, s6;
	s4 =	simm.s32 $0x2  }
0xc: {  	[tilespmem:s3], [sflag:$0x2] =	stream.linear.gather [hbm4b:s5+s3], $0x8, $0x38;
	[tilespmem:$0x1880] =	vst v63  }
0xd: {  	_ =	swait.ge [sflag:s4], $0x8  }
0xe: {  	[sflag:s4] =	ssyncset.done $0x0  }
0xf: {  	[sflag:s4] =	ssyncadd.s32 $0xFFFFFFF8  }
0x10: {  	v0 =	vld.msk [tilespmem:$0x0], $0xff;
	_ =	sdelay $0x4  }
0x11: {  	v1 =	vshrl.u32 v0, $0x3  }
0x12: {  	v1 =	vmul.u32 $0x30, v1  }
0x13: {  	v2 =	vlaneseq.u32;
	v3 =	vand.u32 $0x7, v0  }
0x14: {  	v0 =	vand.u32 $0x7, v2;
	v2 =	vshrl.u32 v2, $0x3;
	v3 =	vor.u32 v3, v1  }
0x15: {  	v1 =	vmul.u32 $0x8, v2;
	v2 =	vperm.xlane v3, v0;
	_ =	sdelay $0x1  }
0x16: {  	v2 =	vadd.s32 v1, v2;
	_ =	sdelay $0x2  }
0x17: {  	s7 =	sadd.s32 $0x100, s2;
	s8 =	sadd.s32 $0x200, s2;
	s14 =	ssub.s32 $0x2, s10  }
0x18: {  	vm0 =	vmmov $0xffff;
	s13 =	smul.u32 $0x300, s6;
	s6 =	simm.s32 $0x80;
	s15 =	sshrl.u32 s14, $0x1  }
0x19: {  	[tilespmem:s6], [sflag:$0x1] =	stream.indirect_vreg.gather [hbm4b:s2+s3], $0x80, v2, vm0, $0xb8;
	[tilespmem:$0x1880] =	vst v63  }
0x1a: {  	s9 =	simm.s32 $0x880;
	s11 =	simm.s32 $0x1;
	s31 =	ssub.s32 s14, s15  }
0x1b: {  	[tilespmem:s9], [sflag:$0x1] =	stream.indirect_vreg.gather [hbm4b:s7+s3], $0x80, v2, vm0, $0xb8;
	[tilespmem:$0x1880] =	vst v63  }
0x1c: {  	s10 =	simm.s32 $0x1080;
	s12 =	sadd.s32 s13, s12;
	s13 =	smax.u32 s31, $0x1  }
0x1d: {  	[tilespmem:s10], [sflag:$0x1] =	stream.indirect_vreg.gather [hbm4b:s8+s3], $0x80, v2, vm0, $0xb8;
	[tilespmem:$0x1880] =	vst v63  }
0x1e: {  	p0 =	sne.s32 s13, $0x1;
	_ =	swait.ge [sflag:s11], $0x1800  }
.Ltmp1:
0x1f: {  	[sflag:s11] =	ssyncset.done $0x0;
	(pc) =	sbr.rel @!p0 .LBB2_3-.Ltmp1, $4  }
0x20: {  	s12 =	sadd.s32 $0x1800, s12;
	[sflag:s11] =	ssyncadd.s32 $0xFFFFE800  }
0x21: {  	[hbm4b:s12+s3] =	stream.linear.scatter [tilespmem:s6], [sflag:$0x2], $0x1800, $0x38;
	[tilespmem:$0x1880] =	vst v63  }
0x22: {  	_ =	swait.ge [sflag:s4], $0x1800  }
0x23: {  	s13 =	sadd.s32 $0xFFFFFFFF, s13;
	[sflag:s4] =	ssyncset.done $0x0  }
.LBB2_2:
0x24: {  	p0 =	sne.s32 s13, $0x1;
	s13 =	sadd.s32 $0xFFFFFFFF, s13;
	[sflag:s4] =	ssyncadd.s32 $0xFFFFE800  }
0x25: {  	[tilespmem:s3], [sflag:$0x2] =	stream.linear.gather [hbm4b:s5+s3], $0x8, $0x38;
	[tilespmem:$0x1880] =	vst v63  }
0x26: {  	_ =	swait.ge [sflag:s4], $0x8  }
0x27: {  	[sflag:s4] =	ssyncset.done $0x0  }
0x28: {  	[sflag:s4] =	ssyncadd.s32 $0xFFFFFFF8  }
0x29: {  	v2 =	vld.msk [tilespmem:$0x0], $0xff;
	_ =	sdelay $0x4  }
0x2a: {  	v3 =	vshrl.u32 v2, $0x3  }
0x2b: {  	v3 =	vmul.u32 $0x30, v3  }
0x2c: {  	v2 =	vand.u32 $0x7, v2  }
0x2d: {  	v2 =	vor.u32 v2, v3  }
0x2e: {  	v2 =	vperm.xlane v2, v0;
	_ =	sdelay $0x1  }
0x2f: {  	v2 =	vadd.s32 v1, v2;
	_ =	sdelay $0x4  }
0x30: {  	[tilespmem:s6], [sflag:$0x1] =	stream.indirect_vreg.gather [hbm4b:s2+s3], $0x80, v2, vm0, $0xb8;
	[tilespmem:$0x1880] =	vst v63  }
0x31: {  	_ = 	snop  }
0x32: {  	[tilespmem:s9], [sflag:$0x1] =	stream.indirect_vreg.gather [hbm4b:s7+s3], $0x80, v2, vm0, $0xb8;
	[tilespmem:$0x1880] =	vst v63  }
0x33: {  	_ = 	snop  }
0x34: {  	[tilespmem:s10], [sflag:$0x1] =	stream.indirect_vreg.gather [hbm4b:s8+s3], $0x80, v2, vm0, $0xb8;
	[tilespmem:$0x1880] =	vst v63  }
0x35: {  	_ =	swait.ge [sflag:s11], $0x1800  }
.Ltmp2:
0x36: {  	[sflag:s11] =	ssyncset.done $0x0;
	(pc) =	sbr.rel @p0 .LBB2_2-.Ltmp2, $4  }
0x37: {  	[sflag:s11] =	ssyncadd.s32 $0xFFFFE800  }
0x38: {  	[hbm4b:s12+s3] =	stream.linear.scatter [tilespmem:s6], [sflag:$0x2], $0x1800, $0x38;
	[tilespmem:$0x1880] =	vst v63  }
0x39: {  	_ =	swait.ge [sflag:s4], $0x1800  }
0x3a: {  	[sflag:s4] =	ssyncset.done $0x0  }
.LBB2_3:
0x3b: {  	[sflag:s4] =	ssyncadd.s32 $0xFFFFE800  }
.LBB2_4:
0x3c: {  	_ =	sfence.sel $0x180000  }
0x3d: {  	[bflag:$0x0] =	sbarrier.arrive $0xFFFF  }
0x3e: {  	p0 =	sne.s32 s1, $0x0;
	_ =	strace $0x90000047  }
0x3f: {  	s0 =	sadd.s32 @!p0 $0x100000, s0;
	[bflag:$0x2] =	sbarrier.arrive $0xFFFF  }
0x40: {  	[sflag:s0] =	ssyncadd.tile.s32 @!p0 $0x1;
	_ =	shalt  }
.Lfunc_end2:
_tile_overlayer_lowered:
.L_overlay_start_2:
0x41: {  	(tag) =	ssettag $0x2  }
0x42: {  	s0 =	rddreg [dreg:$0x0];
	s2 =	stileid.u32  }
0x43: {  	s1 =	rddreg [dreg:$0x1];
	p0 =	sne.s32 s2, $0x0  }
0x44: {  	s3 =	rddreg [dreg:$0x2];
	[bflag:$0x3] =	sbarrier.arrive $0xFFFF;
	s2 =	simm.s32 @!p0 $0x1C02  }
0x45: {  	[timem:s3], [sflag:s2] =	dma.local @!p0 [hbm:s0], s1  }
0x46: {  	s0 =	simm.s32 @!p0 $0x2  }
0x47: {  	_ =	swait.ge @!p0 [sflag:s0], s1  }
0x48: {  	s1 =	ssub.s32 @!p0 $0x0, s1;
	[sflag:s0] =	ssyncset.done @!p0 $0x0  }
0x49: {  	[sflag:s0] =	ssyncadd.s32 @!p0 s1  }
0x4a: {  	[bflag:$0x3] =	sbarrier.arrive $0xFFFF  }
0x4b: {  	_ =	shalt  }

</sc_bundles>
